<compile_context>
chip_gen: v7x
topology: tpu7x:2x2x1
jax: 0.10.2.dev20260603
libtpu: 0.0.44.dev20260713+nightly
codegen_flags: <defaults>
</compile_context>

<pallas_src>
import functools

import jax
import jax.numpy as jnp
from jax import lax
from jax.experimental import pallas as pl
from jax.experimental.pallas import tpu as pltpu
from jax.experimental.pallas import tpu_sc as plsc

DIM = 32
CODEBOOK = 8192
BATCH = 16384

TM = 256

NC = 2
NS = 16
L = 16
NW = NC * NS
BPW = BATCH // NW
GCH = 128


def _argmin_body(x16_ref, embT_ref, xn_ref, en_ref, idx_ref):
    xb = x16_ref[...]
    eb = embT_ref[...]
    xn = xn_ref[...]
    en = en_ref[...]
    scores = lax.dot_general(
        xb, eb, (((1,), (0,)), ((), ())),
        preferred_element_type=jnp.float32,
    )
    d = (xn + en) - 2.0 * scores
    m = jnp.min(d, axis=1, keepdims=True)
    ii = lax.broadcasted_iota(jnp.int32, (TM, CODEBOOK), 1)
    idx = jnp.min(jnp.where(d == m, ii, CODEBOOK), axis=1)
    idx_ref[...] = idx.reshape(1, 1, TM)


def _tc_argmin(x16, embT, xn, en):
    grid = BATCH // TM
    return pl.pallas_call(
        _argmin_body,
        grid=(grid,),
        in_specs=[
            pl.BlockSpec((TM, DIM), lambda i: (i, 0)),
            pl.BlockSpec((DIM, CODEBOOK), lambda i: (0, 0)),
            pl.BlockSpec((TM, 1), lambda i: (i, 0)),
            pl.BlockSpec((1, CODEBOOK), lambda i: (0, 0)),
        ],
        out_specs=pl.BlockSpec((1, 1, TM), lambda i: (i, 0, 0)),
        out_shape=jax.ShapeDtypeStruct((grid, 1, TM), jnp.int32),
    )(x16, embT, xn, en)


@functools.partial(
    pl.kernel,
    out_type=(
        jax.ShapeDtypeStruct((BATCH, DIM), jnp.float32),
        jax.ShapeDtypeStruct((NW, L), jnp.float32),
    ),
    mesh=plsc.VectorSubcoreMesh(core_axis_name="c", subcore_axis_name="s",
                                num_cores=NC, num_subcores=NS),
    compiler_params=pltpu.CompilerParams(use_tc_tiling_on_sc=False),
    scratch_types=[
        pltpu.VMEM((BPW,), jnp.int32),
        pltpu.VMEM((BPW, DIM), jnp.float32),
        pltpu.VMEM((BPW, DIM), jnp.float32),
        pltpu.VMEM((L,), jnp.float32),
        pltpu.VMEM((L,), jnp.float32),
        pltpu.SemaphoreType.DMA,
    ],
)
def _sc_gather(emb_hbm, idx_hbm, x_hbm, scale_hbm, out_hbm, part_hbm,
               idx_v, rows_v, x_v, scale_v, acc_v, sem):
    wid = lax.axis_index("s") * NC + lax.axis_index("c")
    base = wid * BPW
    pltpu.sync_copy(idx_hbm.at[pl.ds(base, BPW)], idx_v)
    pltpu.sync_copy(x_hbm.at[pl.ds(base, BPW)], x_v)
    pltpu.sync_copy(scale_hbm, scale_v)
    copies = []
    for j in range(BPW // GCH):
        copies.append(pltpu.async_copy(
            emb_hbm.at[idx_v.at[pl.ds(j * GCH, GCH)]],
            rows_v.at[pl.ds(j * GCH, GCH)],
            sem,
        ))
    for c in copies:
        c.wait()

    s = scale_v[...]

    def body(i, acc):
        x0 = x_v[i, pl.ds(0, L)]
        x1 = x_v[i, pl.ds(L, L)]
        t0 = rows_v[i, pl.ds(0, L)] * s
        t1 = rows_v[i, pl.ds(L, L)] * s
        d0 = t0 - x0
        d1 = t1 - x1
        rows_v[i, pl.ds(0, L)] = x0 + d0
        rows_v[i, pl.ds(L, L)] = x1 + d1
        return acc + (d0 * d0 + d1 * d1)

    acc = lax.fori_loop(0, BPW, body, jnp.zeros((L,), jnp.float32))
    acc_v[...] = acc
    pltpu.sync_copy(rows_v, out_hbm.at[pl.ds(base, BPW)])
    pltpu.sync_copy(acc_v, part_hbm.at[wid])


def kernel(x, embedding, scale):
    x16 = x.astype(jnp.bfloat16).astype(jnp.float32)
    embT = embedding.astype(jnp.bfloat16).astype(jnp.float32).T
    xn = jnp.sum(x * x, axis=1, keepdims=True)
    en = jnp.sum(embedding * embedding, axis=1).reshape(1, CODEBOOK)
    idx3 = _tc_argmin(x16, embT, xn, en)
    indices = idx3.reshape(BATCH)
    scale16 = jnp.broadcast_to(scale.astype(jnp.float32), (L,))
    quantized, part = _sc_gather(embedding, indices, x, scale16)
    commit_loss = jnp.sum(part) / (BATCH * DIM)
    return quantized, indices, commit_loss

# --- scband reference (transcript-rebuilt; emitter-appended) ---
"""Pipeline reference for scband-vector-quantizer-60670708023852 (READ-ONLY COPY).

The authoritative reference and input builder live on the scoring server;
editing this copy changes nothing except your own understanding.
"""

import jax, jax.numpy as jnp
import numpy as np

DIM = 32
CODEBOOK_SIZE = 8192
BATCH = 16384


def _l2_normalize(x, axis=-1, eps=1e-12):
    norm = jnp.sqrt(jnp.sum(x * x, axis=axis, keepdims=True))
    return x / jnp.maximum(norm, eps)


def setup_inputs(seed: int = 0) -> dict:
    key = jax.random.key(seed)
    k_x, k_emb = jax.random.split(key, 2)
    x = jax.random.normal(k_x, (BATCH, DIM), dtype=jnp.float32)
    embedding = _l2_normalize(jax.random.normal(k_emb, (CODEBOOK_SIZE, DIM), dtype=jnp.float32), axis=-1)
    scale = jnp.ones((1,), dtype=jnp.float32)
    return {"x": x, "embedding": embedding, "scale": scale}


def compute_distances(x, codebook):
    x32 = x.astype(jnp.float32)
    emb32 = codebook.astype(jnp.float32)
    return (jnp.sum(x32 ** 2, axis=1, keepdims=True)
            + jnp.sum(emb32 ** 2, axis=1)
            - 2.0 * jnp.matmul(x32, emb32.T))


def reference(x, embedding, scale):
    input_shape = x.shape
    flat_x = x.reshape(-1, DIM)
    distances = compute_distances(flat_x, embedding)
    indices = jnp.argmin(distances, axis=1)
    quantized = jnp.take(embedding, indices, axis=0) * scale
    commit_loss = jnp.mean((jax.lax.stop_gradient(quantized) - flat_x) ** 2)
    quantized = flat_x + jax.lax.stop_gradient(quantized - flat_x)
    quantized = quantized.reshape(input_shape)
    return (quantized, indices, commit_loss)

if __name__ == "__main__":
    import jax
    _d = setup_inputs()
    print(jax.jit(kernel)(*tuple(_d.values())))

</pallas_src>

<mosaic_0001>
#map = affine_map<(d0, d1) -> (0, 0)>
#map1 = affine_map<(d0, d1) -> (0)>
module attributes {stable_mosaic.version = 14 : i64} {
  func.func @_sc_gather(%arg0: i32, %arg1: i32, %arg2: memref<8192x32xf32, #tpu.memory_space<hbm>>, %arg3: memref<16384xi32, #tpu.memory_space<hbm>>, %arg4: memref<16384x32xf32, #tpu.memory_space<hbm>>, %arg5: memref<16xf32, #tpu.memory_space<hbm>>, %arg6: memref<16384x32xf32, #tpu.memory_space<hbm>>, %arg7: memref<32x16xf32, #tpu.memory_space<hbm>>, %arg8: memref<512xi32, #tpu.memory_space<vmem>>, %arg9: memref<512x32xf32, #tpu.memory_space<vmem>>, %arg10: memref<512x32xf32, #tpu.memory_space<vmem>>, %arg11: memref<16xf32, #tpu.memory_space<vmem>>, %arg12: memref<16xf32, #tpu.memory_space<vmem>>, %arg13: memref<!tpu.dma_semaphore, #tpu.memory_space<semaphore_mem>>) attributes {dimension_semantics = [#tpu.dimension_semantics<core_parallel>, #tpu.dimension_semantics<subcore_parallel>], iteration_bounds = array<i64: 2, 16>, scalar_prefetch = 0 : i64, scratch_operands = 6 : i64, tpu.core_type = #tpu.core_type<sc_vector_subcore>, window_params = [{transform_indices = #map}, {transform_indices = #map1}, {transform_indices = #map}, {transform_indices = #map1}, {transform_indices = #map}, {transform_indices = #map}]} {
    %mul3A = arith.constant 2 : i32
    %mul3A_0 = arith.muli %arg1, %mul3A : i32
    %add3A = arith.addi %mul3A_0, %arg0 : i32
    %mul3A_1 = arith.constant 512 : i32
    %mul3A_2 = arith.muli %add3A, %mul3A_1 : i32
    "tpu.region"() ({
      %run_scoped3A = tpu.sem_alloc : memref<!tpu.dma_semaphore, #tpu.memory_space<semaphore_mem>>
      %dma_start3A_76 = tpu.memref_slice %arg3[%mul3A_2] : memref<16384xi32, #tpu.memory_space<hbm>> -> memref<512xi32, #tpu.memory_space<hbm>>
      %dma_start3A_77 = tpu.memref_slice %arg3[%mul3A_2] : memref<16384xi32, #tpu.memory_space<hbm>> -> memref<512xi32, #tpu.memory_space<hbm>>
      tpu.enqueue_dma source(%dma_start3A_77 : memref<512xi32, #tpu.memory_space<hbm>>) target(%arg8 : memref<512xi32, #tpu.memory_space<vmem>>) target_semaphore(%run_scoped3A : memref<!tpu.dma_semaphore, #tpu.memory_space<semaphore_mem>>)
      %dma_wait3A_78 = tpu.memref_slice %arg3[%mul3A_2] : memref<16384xi32, #tpu.memory_space<hbm>> -> memref<512xi32, #tpu.memory_space<hbm>>
      %dma_wait3A_79 = tpu.memref_slice %arg3[%mul3A_2] : memref<16384xi32, #tpu.memory_space<hbm>> -> memref<512xi32, #tpu.memory_space<hbm>>
      tpu.wait_dma2 semaphore(%run_scoped3A : memref<!tpu.dma_semaphore, #tpu.memory_space<semaphore_mem>>) src(%dma_wait3A_79 : memref<512xi32, #tpu.memory_space<hbm>>) dst(%arg8 : memref<512xi32, #tpu.memory_space<vmem>>)
      tpu.yield
    }) : () -> ()
    "tpu.region"() ({
      %run_scoped3A = tpu.sem_alloc : memref<!tpu.dma_semaphore, #tpu.memory_space<semaphore_mem>>
      %dma_start3A_76 = arith.constant 0 : i32
      %dma_start3A_77 = tpu.memref_slice %arg4[%mul3A_2, %dma_start3A_76] : memref<16384x32xf32, #tpu.memory_space<hbm>> -> memref<512x32xf32, #tpu.memory_space<hbm>>
      %dma_start3A_78 = arith.constant 0 : i32
      %dma_start3A_79 = tpu.memref_slice %arg4[%mul3A_2, %dma_start3A_78] : memref<16384x32xf32, #tpu.memory_space<hbm>> -> memref<512x32xf32, #tpu.memory_space<hbm>>
      tpu.enqueue_dma source(%dma_start3A_79 : memref<512x32xf32, #tpu.memory_space<hbm>>) target(%arg10 : memref<512x32xf32, #tpu.memory_space<vmem>>) target_semaphore(%run_scoped3A : memref<!tpu.dma_semaphore, #tpu.memory_space<semaphore_mem>>)
      %dma_wait3A_80 = arith.constant 0 : i32
      %dma_wait3A_81 = tpu.memref_slice %arg4[%mul3A_2, %dma_wait3A_80] : memref<16384x32xf32, #tpu.memory_space<hbm>> -> memref<512x32xf32, #tpu.memory_space<hbm>>
      %dma_wait3A_82 = arith.constant 0 : i32
      %dma_wait3A_83 = tpu.memref_slice %arg4[%mul3A_2, %dma_wait3A_82] : memref<16384x32xf32, #tpu.memory_space<hbm>> -> memref<512x32xf32, #tpu.memory_space<hbm>>
      tpu.wait_dma2 semaphore(%run_scoped3A : memref<!tpu.dma_semaphore, #tpu.memory_space<semaphore_mem>>) src(%dma_wait3A_83 : memref<512x32xf32, #tpu.memory_space<hbm>>) dst(%arg10 : memref<512x32xf32, #tpu.memory_space<vmem>>)
      tpu.yield
    }) : () -> ()
    "tpu.region"() ({
      %run_scoped3A = tpu.sem_alloc : memref<!tpu.dma_semaphore, #tpu.memory_space<semaphore_mem>>
      tpu.enqueue_dma source(%arg5 : memref<16xf32, #tpu.memory_space<hbm>>) target(%arg11 : memref<16xf32, #tpu.memory_space<vmem>>) target_semaphore(%run_scoped3A : memref<!tpu.dma_semaphore, #tpu.memory_space<semaphore_mem>>)
      tpu.wait_dma2 semaphore(%run_scoped3A : memref<!tpu.dma_semaphore, #tpu.memory_space<semaphore_mem>>) src(%arg5 : memref<16xf32, #tpu.memory_space<hbm>>) dst(%arg11 : memref<16xf32, #tpu.memory_space<vmem>>)
      tpu.yield
    }) : () -> ()
    %dma_start3A = arith.constant 0 : i32
    %dma_start3A_3 = arith.constant 0 : i32
    %dma_start3A_4 = tpu.memref_slice %arg9[%dma_start3A, %dma_start3A_3] : memref<512x32xf32, #tpu.memory_space<vmem>> -> memref<128x32xf32, #tpu.memory_space<vmem>>
    %dma_start3A_5 = arith.constant 0 : i32
    %dma_start3A_6 = tpu.memref_slice %arg8[%dma_start3A_5] : memref<512xi32, #tpu.memory_space<vmem>> -> memref<128xi32, #tpu.memory_space<vmem>>
    %dma_start3A_7 = arith.constant 0 : i32
    %dma_start3A_8 = arith.constant 0 : i32
    %dma_start3A_9 = tpu.memref_slice %arg2[%dma_start3A_7, %dma_start3A_8] : memref<8192x32xf32, #tpu.memory_space<hbm>> -> memref<8192x32xf32, #tpu.memory_space<hbm>>
    tpu.enqueue_indirect_dma source(%dma_start3A_9 : memref<8192x32xf32, #tpu.memory_space<hbm>>) target(%dma_start3A_4 : memref<128x32xf32, #tpu.memory_space<vmem>>) offsets(%dma_start3A_6 : memref<128xi32, #tpu.memory_space<vmem>>) semaphore(%arg13 : memref<!tpu.dma_semaphore, #tpu.memory_space<semaphore_mem>>)
    %dma_start3A_10 = arith.constant 128 : i32
    %dma_start3A_11 = arith.constant 0 : i32
    %dma_start3A_12 = tpu.memref_slice %arg9[%dma_start3A_10, %dma_start3A_11] : memref<512x32xf32, #tpu.memory_space<vmem>> -> memref<128x32xf32, #tpu.memory_space<vmem>>
    %dma_start3A_13 = arith.constant 128 : i32
    %dma_start3A_14 = tpu.memref_slice %arg8[%dma_start3A_13] : memref<512xi32, #tpu.memory_space<vmem>> -> memref<128xi32, #tpu.memory_space<vmem>>
    %dma_start3A_15 = arith.constant 0 : i32
    %dma_start3A_16 = arith.constant 0 : i32
    %dma_start3A_17 = tpu.memref_slice %arg2[%dma_start3A_15, %dma_start3A_16] : memref<8192x32xf32, #tpu.memory_space<hbm>> -> memref<8192x32xf32, #tpu.memory_space<hbm>>
    tpu.enqueue_indirect_dma source(%dma_start3A_17 : memref<8192x32xf32, #tpu.memory_space<hbm>>) target(%dma_start3A_12 : memref<128x32xf32, #tpu.memory_space<vmem>>) offsets(%dma_start3A_14 : memref<128xi32, #tpu.memory_space<vmem>>) semaphore(%arg13 : memref<!tpu.dma_semaphore, #tpu.memory_space<semaphore_mem>>)
    %dma_start3A_18 = arith.constant 256 : i32
    %dma_start3A_19 = arith.constant 0 : i32
    %dma_start3A_20 = tpu.memref_slice %arg9[%dma_start3A_18, %dma_start3A_19] : memref<512x32xf32, #tpu.memory_space<vmem>> -> memref<128x32xf32, #tpu.memory_space<vmem>>
    %dma_start3A_21 = arith.constant 256 : i32
    %dma_start3A_22 = tpu.memref_slice %arg8[%dma_start3A_21] : memref<512xi32, #tpu.memory_space<vmem>> -> memref<128xi32, #tpu.memory_space<vmem>>
    %dma_start3A_23 = arith.constant 0 : i32
    %dma_start3A_24 = arith.constant 0 : i32
    %dma_start3A_25 = tpu.memref_slice %arg2[%dma_start3A_23, %dma_start3A_24] : memref<8192x32xf32, #tpu.memory_space<hbm>> -> memref<8192x32xf32, #tpu.memory_space<hbm>>
    tpu.enqueue_indirect_dma source(%dma_start3A_25 : memref<8192x32xf32, #tpu.memory_space<hbm>>) target(%dma_start3A_20 : memref<128x32xf32, #tpu.memory_space<vmem>>) offsets(%dma_start3A_22 : memref<128xi32, #tpu.memory_space<vmem>>) semaphore(%arg13 : memref<!tpu.dma_semaphore, #tpu.memory_space<semaphore_mem>>)
    %dma_start3A_26 = arith.constant 384 : i32
    %dma_start3A_27 = arith.constant 0 : i32
    %dma_start3A_28 = tpu.memref_slice %arg9[%dma_start3A_26, %dma_start3A_27] : memref<512x32xf32, #tpu.memory_space<vmem>> -> memref<128x32xf32, #tpu.memory_space<vmem>>
    %dma_start3A_29 = arith.constant 384 : i32
    %dma_start3A_30 = tpu.memref_slice %arg8[%dma_start3A_29] : memref<512xi32, #tpu.memory_space<vmem>> -> memref<128xi32, #tpu.memory_space<vmem>>
    %dma_start3A_31 = arith.constant 0 : i32
    %dma_start3A_32 = arith.constant 0 : i32
    %dma_start3A_33 = tpu.memref_slice %arg2[%dma_start3A_31, %dma_start3A_32] : memref<8192x32xf32, #tpu.memory_space<hbm>> -> memref<8192x32xf32, #tpu.memory_space<hbm>>
    tpu.enqueue_indirect_dma source(%dma_start3A_33 : memref<8192x32xf32, #tpu.memory_space<hbm>>) target(%dma_start3A_28 : memref<128x32xf32, #tpu.memory_space<vmem>>) offsets(%dma_start3A_30 : memref<128xi32, #tpu.memory_space<vmem>>) semaphore(%arg13 : memref<!tpu.dma_semaphore, #tpu.memory_space<semaphore_mem>>)
    %dma_wait3A = arith.constant 0 : i32
    %dma_wait3A_34 = arith.constant 0 : i32
    %dma_wait3A_35 = tpu.memref_slice %arg9[%dma_wait3A, %dma_wait3A_34] : memref<512x32xf32, #tpu.memory_space<vmem>> -> memref<128x32xf32, #tpu.memory_space<vmem>>
    %dma_wait3A_36 = arith.constant 0 : i32
    %dma_wait3A_37 = tpu.memref_slice %arg8[%dma_wait3A_36] : memref<512xi32, #tpu.memory_space<vmem>> -> memref<128xi32, #tpu.memory_space<vmem>>
    %dma_wait3A_38 = arith.constant 0 : i32
    %dma_wait3A_39 = arith.constant 0 : i32
    %dma_wait3A_40 = tpu.memref_slice %arg2[%dma_wait3A_38, %dma_wait3A_39] : memref<8192x32xf32, #tpu.memory_space<hbm>> -> memref<8192x32xf32, #tpu.memory_space<hbm>>
    tpu.wait_indirect_dma semaphore(%arg13 : memref<!tpu.dma_semaphore, #tpu.memory_space<semaphore_mem>>) src(%dma_wait3A_40 : memref<8192x32xf32, #tpu.memory_space<hbm>>) dst(%dma_wait3A_35 : memref<128x32xf32, #tpu.memory_space<vmem>>)
    %dma_wait3A_41 = arith.constant 128 : i32
    %dma_wait3A_42 = arith.constant 0 : i32
    %dma_wait3A_43 = tpu.memref_slice %arg9[%dma_wait3A_41, %dma_wait3A_42] : memref<512x32xf32, #tpu.memory_space<vmem>> -> memref<128x32xf32, #tpu.memory_space<vmem>>
    %dma_wait3A_44 = arith.constant 128 : i32
    %dma_wait3A_45 = tpu.memref_slice %arg8[%dma_wait3A_44] : memref<512xi32, #tpu.memory_space<vmem>> -> memref<128xi32, #tpu.memory_space<vmem>>
    %dma_wait3A_46 = arith.constant 0 : i32
    %dma_wait3A_47 = arith.constant 0 : i32
    %dma_wait3A_48 = tpu.memref_slice %arg2[%dma_wait3A_46, %dma_wait3A_47] : memref<8192x32xf32, #tpu.memory_space<hbm>> -> memref<8192x32xf32, #tpu.memory_space<hbm>>
    tpu.wait_indirect_dma semaphore(%arg13 : memref<!tpu.dma_semaphore, #tpu.memory_space<semaphore_mem>>) src(%dma_wait3A_48 : memref<8192x32xf32, #tpu.memory_space<hbm>>) dst(%dma_wait3A_43 : memref<128x32xf32, #tpu.memory_space<vmem>>)
    %dma_wait3A_49 = arith.constant 256 : i32
    %dma_wait3A_50 = arith.constant 0 : i32
    %dma_wait3A_51 = tpu.memref_slice %arg9[%dma_wait3A_49, %dma_wait3A_50] : memref<512x32xf32, #tpu.memory_space<vmem>> -> memref<128x32xf32, #tpu.memory_space<vmem>>
    %dma_wait3A_52 = arith.constant 256 : i32
    %dma_wait3A_53 = tpu.memref_slice %arg8[%dma_wait3A_52] : memref<512xi32, #tpu.memory_space<vmem>> -> memref<128xi32, #tpu.memory_space<vmem>>
    %dma_wait3A_54 = arith.constant 0 : i32
    %dma_wait3A_55 = arith.constant 0 : i32
    %dma_wait3A_56 = tpu.memref_slice %arg2[%dma_wait3A_54, %dma_wait3A_55] : memref<8192x32xf32, #tpu.memory_space<hbm>> -> memref<8192x32xf32, #tpu.memory_space<hbm>>
    tpu.wait_indirect_dma semaphore(%arg13 : memref<!tpu.dma_semaphore, #tpu.memory_space<semaphore_mem>>) src(%dma_wait3A_56 : memref<8192x32xf32, #tpu.memory_space<hbm>>) dst(%dma_wait3A_51 : memref<128x32xf32, #tpu.memory_space<vmem>>)
    %dma_wait3A_57 = arith.constant 384 : i32
    %dma_wait3A_58 = arith.constant 0 : i32
    %dma_wait3A_59 = tpu.memref_slice %arg9[%dma_wait3A_57, %dma_wait3A_58] : memref<512x32xf32, #tpu.memory_space<vmem>> -> memref<128x32xf32, #tpu.memory_space<vmem>>
    %dma_wait3A_60 = arith.constant 384 : i32
    %dma_wait3A_61 = tpu.memref_slice %arg8[%dma_wait3A_60] : memref<512xi32, #tpu.memory_space<vmem>> -> memref<128xi32, #tpu.memory_space<vmem>>
    %dma_wait3A_62 = arith.constant 0 : i32
    %dma_wait3A_63 = arith.constant 0 : i32
    %dma_wait3A_64 = tpu.memref_slice %arg2[%dma_wait3A_62, %dma_wait3A_63] : memref<8192x32xf32, #tpu.memory_space<hbm>> -> memref<8192x32xf32, #tpu.memory_space<hbm>>
    tpu.wait_indirect_dma semaphore(%arg13 : memref<!tpu.dma_semaphore, #tpu.memory_space<semaphore_mem>>) src(%dma_wait3A_64 : memref<8192x32xf32, #tpu.memory_space<hbm>>) dst(%dma_wait3A_59 : memref<128x32xf32, #tpu.memory_space<vmem>>)
    %get3A = arith.constant 0 : index
    %get3A_65 = tpu.vector_load %arg11[%get3A] {strides = array<i32>} : memref<16xf32, #tpu.memory_space<vmem>>, vector<16xf32>,
    %get3A_66 = vector.shape_cast %get3A_65 : vector<16xf32> to vector<16xf32>
    %broadcast_in_dim3A = arith.constant 0.000000e+00 : f32
    %broadcast_in_dim3A_67 = vector.broadcast %broadcast_in_dim3A : f32 to vector<16xf32>
    %scan3A = arith.constant 0 : i32
    %scan3A_68 = arith.constant 512 : i32
    %scan3A_69 = arith.addi %scan3A, %scan3A_68 : i32
    %scan3A_70 = arith.constant 1 : i32
    %scan3A_71 = scf.for %scan3A_76 = %scan3A to %scan3A_69 step %scan3A_70 iter_args(%scan3A_77 = %broadcast_in_dim3A_67) -> (vector<16xf32>)  : i32 {
      %get3A_78 = arith.index_cast %scan3A_76 : i32 to index
      %get3A_79 = arith.constant 0 : index
      %get3A_80 = tpu.vector_load %arg10[%get3A_78, %get3A_79] {strides = array<i32>} : memref<512x32xf32, #tpu.memory_space<vmem>>, vector<1x16xf32>,
      %get3A_81 = vector.shape_cast %get3A_80 : vector<1x16xf32> to vector<16xf32>
      %get3A_82 = arith.index_cast %scan3A_76 : i32 to index
      %get3A_83 = arith.constant 16 : index
      %get3A_84 = tpu.vector_load %arg10[%get3A_82, %get3A_83] {strides = array<i32>} : memref<512x32xf32, #tpu.memory_space<vmem>>, vector<1x16xf32>,
      %get3A_85 = vector.shape_cast %get3A_84 : vector<1x16xf32> to vector<16xf32>
      %get3A_86 = arith.index_cast %scan3A_76 : i32 to index
      %get3A_87 = arith.constant 0 : index
      %get3A_88 = tpu.vector_load %arg9[%get3A_86, %get3A_87] {strides = array<i32>} : memref<512x32xf32, #tpu.memory_space<vmem>>, vector<1x16xf32>,
      %get3A_89 = vector.shape_cast %get3A_88 : vector<1x16xf32> to vector<16xf32>
      %mul3A_90 = arith.mulf %get3A_89, %get3A_66 : vector<16xf32>
      %get3A_91 = arith.index_cast %scan3A_76 : i32 to index
      %get3A_92 = arith.constant 16 : index
      %get3A_93 = tpu.vector_load %arg9[%get3A_91, %get3A_92] {strides = array<i32>} : memref<512x32xf32, #tpu.memory_space<vmem>>, vector<1x16xf32>,
      %get3A_94 = vector.shape_cast %get3A_93 : vector<1x16xf32> to vector<16xf32>
      %mul3A_95 = arith.mulf %get3A_94, %get3A_66 : vector<16xf32>
      %sub3A = arith.subf %mul3A_90, %get3A_81 : vector<16xf32>
      %sub3A_96 = arith.subf %mul3A_95, %get3A_85 : vector<16xf32>
      %add3A_97 = arith.addf %get3A_81, %sub3A : vector<16xf32>
      %swap3A_98 = arith.index_cast %scan3A_76 : i32 to index
      %swap3A_99 = arith.constant 0 : index
      %swap3A_100 = tpu.vector_load %arg9[%swap3A_98, %swap3A_99] {strides = array<i32>} : memref<512x32xf32, #tpu.memory_space<vmem>>, vector<1x16xf32>,
      %swap3A_101 = vector.shape_cast %swap3A_100 : vector<1x16xf32> to vector<16xf32>
      %swap3A_102 = vector.shape_cast %add3A_97 : vector<16xf32> to vector<1x16xf32>
      tpu.vector_store %arg9[%swap3A_98, %swap3A_99], %swap3A_102 {strides = array<i32>} : memref<512x32xf32, #tpu.memory_space<vmem>>, vector<1x16xf32>,
      %add3A_103 = arith.addf %get3A_85, %sub3A_96 : vector<16xf32>
      %swap3A_104 = arith.index_cast %scan3A_76 : i32 to index
      %swap3A_105 = arith.constant 16 : index
      %swap3A_106 = tpu.vector_load %arg9[%swap3A_104, %swap3A_105] {strides = array<i32>} : memref<512x32xf32, #tpu.memory_space<vmem>>, vector<1x16xf32>,
      %swap3A_107 = vector.shape_cast %swap3A_106 : vector<1x16xf32> to vector<16xf32>
      %swap3A_108 = vector.shape_cast %add3A_103 : vector<16xf32> to vector<1x16xf32>
      tpu.vector_store %arg9[%swap3A_104, %swap3A_105], %swap3A_108 {strides = array<i32>} : memref<512x32xf32, #tpu.memory_space<vmem>>, vector<1x16xf32>,
      %mul3A_109 = arith.mulf %sub3A, %sub3A : vector<16xf32>
      %mul3A_110 = arith.mulf %sub3A_96, %sub3A_96 : vector<16xf32>
      %add3A_111 = arith.addf %mul3A_109, %mul3A_110 : vector<16xf32>
      %add3A_112 = arith.addf %scan3A_77, %add3A_111 : vector<16xf32>
      scf.yield %add3A_112 : vector<16xf32>
    }
    %scan3A_72 = arith.constant 512 : i32
    %swap3A = arith.constant 0 : index
    %swap3A_73 = tpu.vector_load %arg12[%swap3A] {strides = array<i32>} : memref<16xf32, #tpu.memory_space<vmem>>, vector<16xf32>,
    %swap3A_74 = vector.shape_cast %swap3A_73 : vector<16xf32> to vector<16xf32>
    %swap3A_75 = vector.shape_cast %scan3A_71 : vector<16xf32> to vector<16xf32>
    tpu.vector_store %arg12[%swap3A], %swap3A_75 {strides = array<i32>} : memref<16xf32, #tpu.memory_space<vmem>>, vector<16xf32>,
    "tpu.region"() ({
      %run_scoped3A = tpu.sem_alloc : memref<!tpu.dma_semaphore, #tpu.memory_space<semaphore_mem>>
      %dma_start3A_76 = arith.constant 0 : i32
      %dma_start3A_77 = tpu.memref_slice %arg6[%mul3A_2, %dma_start3A_76] : memref<16384x32xf32, #tpu.memory_space<hbm>> -> memref<512x32xf32, #tpu.memory_space<hbm>>
      %dma_start3A_78 = arith.constant 0 : i32
      %dma_start3A_79 = tpu.memref_slice %arg6[%mul3A_2, %dma_start3A_78] : memref<16384x32xf32, #tpu.memory_space<hbm>> -> memref<512x32xf32, #tpu.memory_space<hbm>>
      tpu.enqueue_dma source(%arg9 : memref<512x32xf32, #tpu.memory_space<vmem>>) target(%dma_start3A_79 : memref<512x32xf32, #tpu.memory_space<hbm>>) target_semaphore(%run_scoped3A : memref<!tpu.dma_semaphore, #tpu.memory_space<semaphore_mem>>)
      %dma_wait3A_80 = arith.constant 0 : i32
      %dma_wait3A_81 = tpu.memref_slice %arg6[%mul3A_2, %dma_wait3A_80] : memref<16384x32xf32, #tpu.memory_space<hbm>> -> memref<512x32xf32, #tpu.memory_space<hbm>>
      %dma_wait3A_82 = arith.constant 0 : i32
      %dma_wait3A_83 = tpu.memref_slice %arg6[%mul3A_2, %dma_wait3A_82] : memref<16384x32xf32, #tpu.memory_space<hbm>> -> memref<512x32xf32, #tpu.memory_space<hbm>>
      tpu.wait_dma2 semaphore(%run_scoped3A : memref<!tpu.dma_semaphore, #tpu.memory_space<semaphore_mem>>) src(%arg9 : memref<512x32xf32, #tpu.memory_space<vmem>>) dst(%dma_wait3A_83 : memref<512x32xf32, #tpu.memory_space<hbm>>)
      tpu.yield
    }) : () -> ()
    "tpu.region"() ({
      %run_scoped3A = tpu.sem_alloc : memref<!tpu.dma_semaphore, #tpu.memory_space<semaphore_mem>>
      %dma_start3A_76 = arith.constant 0 : i32
      %dma_start3A_77 = tpu.memref_slice %arg7[%add3A, %dma_start3A_76] : memref<32x16xf32, #tpu.memory_space<hbm>> -> memref<1x16xf32, #tpu.memory_space<hbm>>
      %dma_start3A_78 = tpu.memref_squeeze %dma_start3A_77 : memref<1x16xf32, #tpu.memory_space<hbm>> -> memref<16xf32, #tpu.memory_space<hbm>>
      %dma_start3A_79 = arith.constant 0 : i32
      %dma_start3A_80 = tpu.memref_slice %arg7[%add3A, %dma_start3A_79] : memref<32x16xf32, #tpu.memory_space<hbm>> -> memref<1x16xf32, #tpu.memory_space<hbm>>
      %dma_start3A_81 = tpu.memref_squeeze %dma_start3A_80 : memref<1x16xf32, #tpu.memory_space<hbm>> -> memref<16xf32, #tpu.memory_space<hbm>>
      tpu.enqueue_dma source(%arg12 : memref<16xf32, #tpu.memory_space<vmem>>) target(%dma_start3A_81 : memref<16xf32, #tpu.memory_space<hbm>>) target_semaphore(%run_scoped3A : memref<!tpu.dma_semaphore, #tpu.memory_space<semaphore_mem>>)
      %dma_wait3A_82 = arith.constant 0 : i32
      %dma_wait3A_83 = tpu.memref_slice %arg7[%add3A, %dma_wait3A_82] : memref<32x16xf32, #tpu.memory_space<hbm>> -> memref<1x16xf32, #tpu.memory_space<hbm>>
      %dma_wait3A_84 = tpu.memref_squeeze %dma_wait3A_83 : memref<1x16xf32, #tpu.memory_space<hbm>> -> memref<16xf32, #tpu.memory_space<hbm>>
      %dma_wait3A_85 = arith.constant 0 : i32
      %dma_wait3A_86 = tpu.memref_slice %arg7[%add3A, %dma_wait3A_85] : memref<32x16xf32, #tpu.memory_space<hbm>> -> memref<1x16xf32, #tpu.memory_space<hbm>>
      %dma_wait3A_87 = tpu.memref_squeeze %dma_wait3A_86 : memref<1x16xf32, #tpu.memory_space<hbm>> -> memref<16xf32, #tpu.memory_space<hbm>>
      tpu.wait_dma2 semaphore(%run_scoped3A : memref<!tpu.dma_semaphore, #tpu.memory_space<semaphore_mem>>) src(%arg12 : memref<16xf32, #tpu.memory_space<vmem>>) dst(%dma_wait3A_87 : memref<16xf32, #tpu.memory_space<hbm>>)
      tpu.yield
    }) : () -> ()
    return
  }
}

module attributes {stable_mosaic.version = 14 : i64} {
  func.func @_argmin_body(%arg0: i32, %arg1: memref<256x32xf32, #tpu.memory_space<vmem>>, %arg2: memref<32x8192xf32, #tpu.memory_space<vmem>>, %arg3: memref<256x1xf32, #tpu.memory_space<vmem>>, %arg4: memref<1x8192xf32, #tpu.memory_space<vmem>>, %arg5: memref<1x1x256xi32, #tpu.memory_space<vmem>>) attributes {dimension_semantics = [#tpu.dimension_semantics<arbitrary>], iteration_bounds = array<i64: 64>, scalar_prefetch = 0 : i64, scratch_operands = 0 : i64, tpu.core_type = #tpu.core_type<tc>, window_params = [{transform_indices = @transform_0, window_bounds = array<i64: 256, 32>}, {pipeline_mode = #tpu.pipeline_mode<synchronous>, transform_indices = @transform_1, window_bounds = array<i64: 32, 8192>}, {transform_indices = @transform_2, window_bounds = array<i64: 256, 1>}, {pipeline_mode = #tpu.pipeline_mode<synchronous>, transform_indices = @transform_3, window_bounds = array<i64: 1, 8192>}, {transform_indices = @transform_4, window_bounds = array<i64: 1, 1, 256>}]} {
    %get3A = arith.constant 0 : index
    %get3A_0 = arith.constant 0 : index
    %get3A_1 = vector.load %arg1[%get3A, %get3A_0] : memref<256x32xf32, #tpu.memory_space<vmem>>, vector<256x32xf32>
    %get3A_2 = arith.constant 0 : index
    %get3A_3 = arith.constant 0 : index
    %get3A_4 = vector.load %arg2[%get3A_2, %get3A_3] : memref<32x8192xf32, #tpu.memory_space<vmem>>, vector<32x8192xf32>
    %get3A_5 = arith.constant 0 : index
    %get3A_6 = arith.constant 0 : index
    %get3A_7 = vector.load %arg3[%get3A_5, %get3A_6] : memref<256x1xf32, #tpu.memory_space<vmem>>, vector<256x1xf32>
    %get3A_8 = arith.constant 0 : index
    %get3A_9 = arith.constant 0 : index
    %get3A_10 = vector.load %arg4[%get3A_8, %get3A_9] : memref<1x8192xf32, #tpu.memory_space<vmem>>, vector<1x8192xf32>
    %dot_general3A = arith.constant dense<0.000000e+00> : vector<256x8192xf32>
    %dot_general3A_11 = tpu.matmul %get3A_1, %get3A_4, %dot_general3A {dimension_numbers = #tpu.dot_dimension_numbers<[1], [0], [0], [1], [0, 0, 1, 1], [], []>, transpose_lhs_hint = false} : vector<256x32xf32>, vector<32x8192xf32>, vector<256x8192xf32> -> vector<256x8192xf32>
    %add3A = vector.broadcast %get3A_7 : vector<256x1xf32> to vector<256x8192xf32>
    %add3A_12 = vector.broadcast %get3A_10 : vector<1x8192xf32> to vector<256x8192xf32>
    %add3A_13 = arith.addf %add3A, %add3A_12 : vector<256x8192xf32>
    %mul3A = arith.constant 2.000000e+00 : f32
    %mul3A_14 = vector.broadcast %mul3A : f32 to vector<256x8192xf32>
    %mul3A_15 = arith.mulf %mul3A_14, %dot_general3A_11 : vector<256x8192xf32>
    %sub3A = arith.subf %add3A_13, %mul3A_15 : vector<256x8192xf32>
    %reduce_min3A = arith.constant dense<0x7F800000> : vector<256xf32>
    %reduce_min3A_16 = vector.multi_reduction <minimumf>, %sub3A, %reduce_min3A [1] : vector<256x8192xf32> to vector<256xf32>
    %broadcast_in_dim3A = vector.shape_cast %reduce_min3A_16 : vector<256xf32> to vector<256x1xf32>
    %iota3A = tpu.iota {dimensions = array<i32: 1>} : vector<256x8192xi32>
    %eq3A = vector.broadcast %broadcast_in_dim3A : vector<256x1xf32> to vector<256x8192xf32>
    %eq3A_17 = arith.cmpf oeq, %sub3A, %eq3A : vector<256x8192xf32>
    %jit3A = arith.constant 8192 : i32
    %broadcast_in_dim3A_18 = vector.broadcast %jit3A : i32 to vector<256x8192xi32>
    %select_n3A = arith.select %eq3A_17, %iota3A, %broadcast_in_dim3A_18 : vector<256x8192xi1>, vector<256x8192xi32>
    %reduce_min3A_19 = arith.constant dense<2147483647> : vector<256xi32>
    %reduce_min3A_20 = vector.multi_reduction <minsi>, %select_n3A, %reduce_min3A_19 [1] : vector<256x8192xi32> to vector<256xi32>
    %reshape3A = vector.shape_cast %reduce_min3A_20 : vector<256xi32> to vector<1x1x256xi32>
    %swap3A = arith.constant 0 : index
    %swap3A_21 = arith.constant 0 : index
    %swap3A_22 = arith.constant 0 : index
    %swap3A_23 = vector.load %arg5[%swap3A, %swap3A_21, %swap3A_22] : memref<1x1x256xi32, #tpu.memory_space<vmem>>, vector<1x1x256xi32>
    tpu.vector_store %arg5[%swap3A, %swap3A_21, %swap3A_22], %reshape3A {strides = array<i32>} : memref<1x1x256xi32, #tpu.memory_space<vmem>>, vector<1x1x256xi32>,
    return
  }
  func.func @transform_0(%arg0: i32) -> (i32, i32) {
    %c0_i32 = arith.constant 0 : i32
    %c0_i32_0 = arith.constant 0 : i32
    return %arg0, %c0_i32 : i32, i32
  }
  func.func @transform_1(%arg0: i32) -> (i32, i32) {
    %c0_i32 = arith.constant 0 : i32
    %c0_i32_0 = arith.constant 0 : i32
    %c0_i32_1 = arith.constant 0 : i32
    return %c0_i32, %c0_i32_0 : i32, i32
  }
  func.func @transform_2(%arg0: i32) -> (i32, i32) {
    %c0_i32 = arith.constant 0 : i32
    %c0_i32_0 = arith.constant 0 : i32
    return %arg0, %c0_i32 : i32, i32
  }
  func.func @transform_3(%arg0: i32) -> (i32, i32) {
    %c0_i32 = arith.constant 0 : i32
    %c0_i32_0 = arith.constant 0 : i32
    %c0_i32_1 = arith.constant 0 : i32
    return %c0_i32, %c0_i32_0 : i32, i32
  }
  func.func @transform_4(%arg0: i32) -> (i32, i32, i32) {
    %c0_i32 = arith.constant 0 : i32
    %c0_i32_0 = arith.constant 0 : i32
    %c0_i32_1 = arith.constant 0 : i32
    return %arg0, %c0_i32, %c0_i32_0 : i32, i32, i32
  }
}

</mosaic_0001>

<sc_bundles>
// kernel: kernel.4.cloned.1.call-start
scs
__scs_entry_jumppad:
0x0: {  	(pc) =	sbr.rel $0x88, $3  }
0x1: {  	(tag) =	ssettag $0x0;
	lr =	simm.s32 $0x1  }
0x2: {  	[smem:$0x3F9E] =	sst lr;
	_ =	strace $0xD0000000  }
0x3: {  	_ = 	snop  }
0x4: {  	_ = 	snop  }
0x5: {  	_ = 	snop  }
0x6: {  	_ = 	snop  }
0x7: {  	_ = 	snop  }
__scs_overlays_trampoline_lowered:
0x8: {  	[smem:$0x3FAD] =	sst s0  }
0x9: {  	[smem:$0x3FAE] =	sst s1  }
0xa: {  	[smem:$0x3FAF] =	sst s2  }
0xb: {  	[smem:$0x3FB0] =	sst s3  }
0xc: {  	[smem:$0x3FB1] =	sst s4  }
0xd: {  	[smem:$0x3FB2] =	sst s5  }
0xe: {  	[smem:$0x3FB3] =	sst s6  }
0xf: {  	[smem:$0x3FB4] =	sst s7  }
0x10: {  	[smem:$0x3FB5] =	sst s8  }
0x11: {  	[smem:$0x3FB6] =	sst s9;
	s0 =	simm.s32 @!p0 $0x0  }
0x12: {  	s1 =	sld [smem:$0x3F9C];
	s0 =	simm.s32 @p0 $0x1  }
0x13: {  	[smem:$0x3FB7] =	sst s0;
	s0 =	simm.s32 @!p1 $0x0  }
0x14: {  	s2 =	sld [smem:$0x3F9B];
	s0 =	simm.s32 @p1 $0x1  }
0x15: {  	[smem:$0x3FB8] =	sst s0;
	s0 =	simm.s32 @!p2 $0x0  }
0x16: {  	s3 =	sld [smem:$0x3FDB];
	s0 =	simm.s32 @p2 $0x1  }
0x17: {  	s4 =	simm.s32 $0x1BF5;
	[smem:$0x3FBA] =	sst s0  }
0x18: {  	s0 =	sld [smem:$0x3F9D];
	_ =	swait.ge [sflag:s4], $0x0  }
0x19: {  	s7 =	sld [smem:$0x3F9E]  }
0x1a: {  	s8 =	sadd.s32 $0xFFFFE003, lr  }
0x1b: {  	s9 =	sadd.s32 $0xFFFFFEF7, lr;
	s5 =	simm.s32 $0xFFFFFFFF;
	p2 =	slt.u32 s8, $0xFFFFF086  }
0x1c: {  	p1 =	slt.u32 s9, $0xF7A;
	s5 =	simm.s32 @!p2 $0x0  }
0x1d: {  	s5 =	simm.s32 @p1 $0x1;
	p0 =	seq.s32 s7, s2  }
0x1e: {  	s7 =	smul.u32 @!p0 $0xF7A, s2;
	p2 =	seq.s32 @!p0 s5, $0x0  }
0x1f: {  	s9 =	smul.u32 $0xF7A, s1;
	s8 =	simm.s32 @!p0 $0x1BF5;
	p2 =	por !p2, p0  }
0x20: {  	[sflag:s8] =	ssyncset.s32 @!p0 $0xFFFFF086;
	s6 =	sadd.s32 @!p0 s3, s7;
	s7 =	simm.s32 @!p0 $0x108  }
0x21: {  	s3 =	sadd.s32 s3, s9;
	s6 =	sadd.s32 @!p0 $0x88, s6;
	s7 =	simm.s32 @p2 $0x1082  }
0x22: {  	[simem:s7], [sflag:s8] =	dma.local @!p0 [hbm:s6], $0xF7A  }
0x23: {  	s9 =	sor.u32 $0xD0000000, s2;
	s6 =	simm.s32 $0x108;
	_ =	swait.ge @!p0 [sflag:s8], $0x0  }
0x24: {  	s3 =	sadd.s32 $0x88, s3;
	s6 =	simm.s32 @!p1 $0x1082;
	[sflag:s4] =	ssyncset.s32 $0xFFFFF086  }
0x25: {  	[simem:s6], [sflag:s4] =	dma.local [hbm:s3], $0xF7A  }
0x26: {  	[smem:$0x3F9E] =	sst s1;
	(tag) =	ssettag s2;
	_ =	strace s9  }
0x27: {  	s1 =	sld [smem:$0x3FAE]  }
0x28: {  	s2 =	sld [smem:$0x3FAF]  }
0x29: {  	s4 =	sld [smem:$0x3FB1]  }
0x2a: {  	p0 =	seq.s32 s5, $0x0;
	s5 =	sld [smem:$0x3FB2]  }
0x2b: {  	s6 =	sld [smem:$0x3FB3]  }
0x2c: {  	s7 =	sld [smem:$0x3FB4]  }
0x2d: {  	s3 =	simm.s32 $0x108;
	s8 =	sld [smem:$0x3FB5]  }
0x2e: {  	s3 =	simm.s32 @!p0 $0x1082;
	s9 =	sld [smem:$0x3FB6]  }
0x2f: {  	lr =	sadd.s32 s0, s3;
	s0 =	sld [smem:$0x3FAD]  }
0x30: {  	s3 =	sld [smem:$0x3FB0]  }
0x31: {  	[smem:$0x3FB9] =	sst s10  }
0x32: {  	s10 =	sld [smem:$0x3FB7];
	_ =	sdelay $0x3  }
0x33: {  	p0 =	seq.s32 s10, $0x1;
	s10 =	sld [smem:$0x3FB9];
	_ =	sdelay $0x3  }
0x34: {  	[smem:$0x3FB9] =	sst s10  }
0x35: {  	s10 =	sld [smem:$0x3FB8];
	_ =	sdelay $0x3  }
0x36: {  	p1 =	seq.s32 s10, $0x1;
	s10 =	sld [smem:$0x3FB9];
	_ =	sdelay $0x3  }
0x37: {  	[smem:$0x3FB9] =	sst s10  }
0x38: {  	s10 =	sld [smem:$0x3FBA]  }
0x39: {  	_ = 	snop;
	(pc) =	sbr.ind lr, $3  }
0x3a: {  	_ = 	snop  }
0x3b: {  	_ = 	snop  }
0x3c: {  	p2 =	seq.s32 s10, $0x1;
	s10 =	sld [smem:$0x3FB9]  }
0x3d: {  	_ =	shalt  }
0x3e: {  	_ =	shalt  }
0x3f: {  	_ =	shalt  }
0x40: {  	_ =	shalt  }
0x41: {  	_ =	shalt  }
0x42: {  	_ =	shalt  }
0x43: {  	_ =	shalt  }
0x44: {  	_ =	shalt  }
0x45: {  	_ =	shalt  }
0x46: {  	_ =	shalt  }
0x47: {  	_ =	shalt  }
0x48: {  	_ =	shalt  }
0x49: {  	_ =	shalt  }
0x4a: {  	_ =	shalt  }
0x4b: {  	_ =	shalt  }
0x4c: {  	_ =	shalt  }
0x4d: {  	_ =	shalt  }
0x4e: {  	_ =	shalt  }
0x4f: {  	_ =	shalt  }
0x50: {  	_ =	shalt  }
0x51: {  	_ =	shalt  }
0x52: {  	_ =	shalt  }
0x53: {  	_ =	shalt  }
0x54: {  	_ =	shalt  }
0x55: {  	_ =	shalt  }
0x56: {  	_ =	shalt  }
0x57: {  	_ =	shalt  }
0x58: {  	_ =	shalt  }
0x59: {  	_ =	shalt  }
0x5a: {  	_ =	shalt  }
0x5b: {  	_ =	shalt  }
0x5c: {  	_ =	shalt  }
0x5d: {  	_ =	shalt  }
0x5e: {  	_ =	shalt  }
0x5f: {  	_ =	shalt  }
0x60: {  	_ =	shalt  }
0x61: {  	_ =	shalt  }
0x62: {  	_ =	shalt  }
0x63: {  	_ =	shalt  }
0x64: {  	_ =	shalt  }
0x65: {  	_ =	shalt  }
0x66: {  	_ =	shalt  }
0x67: {  	_ =	shalt  }
0x68: {  	_ =	shalt  }
0x69: {  	_ =	shalt  }
0x6a: {  	_ =	shalt  }
0x6b: {  	_ =	shalt  }
0x6c: {  	_ =	shalt  }
0x6d: {  	_ =	shalt  }
0x6e: {  	_ =	shalt  }
0x6f: {  	_ =	shalt  }
0x70: {  	_ =	shalt  }
0x71: {  	_ =	shalt  }
0x72: {  	_ =	shalt  }
0x73: {  	_ =	shalt  }
0x74: {  	_ =	shalt  }
0x75: {  	_ =	shalt  }
0x76: {  	_ =	shalt  }
0x77: {  	_ =	shalt  }
0x78: {  	_ =	shalt  }
0x79: {  	_ =	shalt  }
0x7a: {  	_ =	shalt  }
0x7b: {  	_ =	shalt  }
0x7c: {  	_ =	shalt  }
0x7d: {  	_ =	shalt  }
0x7e: {  	_ =	shalt  }
0x7f: {  	_ =	shalt  }
0x80: {  	_ =	shalt  }
0x81: {  	_ =	shalt  }
0x82: {  	_ =	shalt  }
0x83: {  	_ =	shalt  }
0x84: {  	_ =	shalt  }
0x85: {  	_ =	shalt  }
0x86: {  	_ =	shalt  }
0x87: {  	_ =	shalt  }
.Lfunc_end0:
.L_simem_size_0:
called_computation_lowered:
.L_overlay_start_0:
0x88: {  	s2 =	sld [smem:$0x3FD9]  }
0x89: {  	s3 =	sld [smem:$0x3FFE];
	_ =	sdelay $0x1  }
0x8a: {  	s1 =	srdreg.scid  }
0x8b: {  	s0 =	sand.u32 $0x1, s1  }
0x8c: {  	s14 =	sshll.u32 s0, $0xA;
	s2 =	sadd.s32 s3, s2  }
0x8d: {  	s2 =	sadd.s32 s2, s14  }
0x8e: {  	[smem:$0x3FC5] =	sst s2  }
0x8f: {  	_ = 	snop  }
0x90: {  	s2 =	sld [smem:$0x3FD0];
	_ =	sdelay $0x2  }
0x91: {  	s15 =	simm.s32 $0xA;
	s4 =	simm.s32 $0x10  }
0x92: {  	[smem:s4], [sflag:s15] =	dma.local [hbm:s2], $0x1  }
0x93: {  	_ =	swait.eq [sflag:s15], $0x1  }
0x94: {  	[sflag:s15] =	ssyncset.done $0x0  }
0x95: {  	s16 =	sld [smem:$0x10];
	[sflag:s15] =	ssyncadd.s32 $0xFFFFFFFF  }
0x96: {  	s17 =	sld [smem:$0x11];
	(tm) =	ssettm $0x1  }
0x97: {  	s18 =	sld [smem:$0x3FFB];
	_ =	sdelay $0x3  }
0x98: {  	_ =	strace s18  }
0x99: {  	s4 =	sld [smem:$0x3FFC];
	_ =	sdelay $0x3  }
0x9a: {  	_ =	strace s4  }
0x9b: {  	s4 =	sld [smem:$0x3FFD];
	_ =	sdelay $0x3  }
0x9c: {  	_ =	strace s4  }
0x9d: {  	_ =	strace $0x8FFFFFFF  }
0x9e: {  	s19 =	sld [smem:$0x3FDB];
	_ =	sdelay $0x1  }
0x9f: {  	s5 =	simm.s32 $_scs_section_size  }
0xa0: {  	s6 =	simm.s32 $_size__tile_overlayer_lowered;
	s7 =	simm.s32 $_tile_overlayer_lowered  }
0xa1: {  	s22 =	simm.s32 $0x1BFF;
	s21 =	sshll.u32 s7, $0x1;
	s4 =	sadd.s32 s5, s19  }
0xa2: {  	s8 =	simm.s32 $0x0;
	s20 =	sshll.u32 s6, $0x1;
	s6 =	sadd.s32 s21, s4  }
0xa3: {  	[timem:s8], [sflag:s22] =	dma.local [hbm:s6], s20  }
0xa4: {  	_ =	swait.ge [sflag:s22], s20  }
0xa5: {  	s5 =	ssub.s32 $0x0, s20;
	[sflag:s22] =	ssyncset.done $0x0  }
0xa6: {  	[sflag:s22] =	ssyncadd.s32 s5;
	_ =	sdelay $0x1  }
0xa7: {  	s23 =	simm.s32 $0x1B8B  }
0xa8: {  	_ =	swait.ge [sflag:s23], $0x1  }
0xa9: {  	[sflag:s23] =	ssyncset.done $0x0  }
0xaa: {  	s25 =	simm.s32 $0x1B8E;
	s24 =	sld [smem:$0x3FFE];
	[sflag:s23] =	ssyncadd.s32 $0xFFFFFFFF  }
0xab: {  	s26 =	simm.s32 $execute0_lowered;
	[smem:$0x3FD2] =	sst s25  }
0xac: {  	s6 =	sshll.u32 s26, $0x1;
	_ =	strace $0x80000046;
	[dreg:$0x1] =	wrdreg $0xFFFFFFFF  }
0xad: {  	s28 =	simm.s32 $_size_execute0_lowered;
	s4 =	sadd.s32 s4, s6;
	[dreg:$0x0] =	wrdreg $0x0  }
0xae: {  	s6 =	sshll.u32 s28, $0x1;
	[dreg:$0x2] =	wrdreg s4  }
0xaf: {  	[dreg:$0x3] =	wrdreg s6  }
0xb0: {  	[dreg:$0x4] =	wrdreg $0xC0  }
0xb1: {  	_ =	task [dreg:s8], $0x5FFFF  }
0xb2: {  	[dreg:$0x1] =	wrdreg $0xFFFFFFFF  }
0xb3: {  	[dreg:$0x0] =	wrdreg $0x60  }
0xb4: {  	[dreg:$0x2] =	wrdreg s24  }
0xb5: {  	[dreg:$0x3] =	wrdreg s17  }
0xb6: {  	[dreg:$0x4] =	wrdreg s16  }
0xb7: {  	[dreg:$0x5] =	wrdreg $0x9  }
0xb8: {  	_ =	task.clear_ibuf [dreg:s8], $0x6FFFF;
	_ =	strace $0x90000046  }
0xb9: {  	s29 =	simm.s32 $0x9;
	_ =	strace $0x80000048  }
0xba: {  	_ =	swait.ge [sflag:s29], $0x1  }
0xbb: {  	[sflag:s29] =	ssyncadd.s32 $0xFFFFFFFF  }
0xbc: {  	_ =	strace $0x90000048  }
0xbd: {  	_ =	sfence  }
0xbe: {  	s30 =	sld [smem:$0x0];
	_ =	sdelay $0x2  }
0xbf: {  	s31 =	sshll.u32 s1, $0xD;
	s1 =	sshrl.u32 s1, $0x2  }
0xc0: {  	s3 =	sand.u32 $0x4000, s31;
	s1 =	sadd.s32 s1, s30  }
0xc1: {  	s0 =	sor.u32 s3, s0;
	s1 =	sshll.u32 s1, $0x11  }
0xc2: {  	s0 =	sor.u32 s1, s0  }
0xc3: {  	s0 =	sadd.s32 $0x8F2B, s0  }
0xc4: {  	[sflag:s0] =	ssyncadd.remote.s32 $0x1  }
0xc5: {  	_ =	sfence.sel $0xFFFF  }
0xc6: {  	[dreg:$0x0] =	wrdreg $0xFFFFFFFF;
	(pc) =	sbr.abs _section_cstart, $3  }
0xc7: {  	[dreg:$0x1] =	wrdreg $0xFFFFFFFF  }
0xc8: {  	_ =	task.clear_ibuf [dreg:s8], $0x2FFFF;
	_ =	strace $0x9FFFFFFF  }
0xc9: {  	(tm) =	ssettm $0x7FFFFFFF  }
tec
execute0_lowered:
.L_overlay_start_1:
0x0: {  	(tag) =	ssettag $0x1  }
0x1: {  	s5 =	rddreg [dreg:$0x0]  }
0x2: {  	s6 =	rddreg [dreg:$0x1]  }
0x3: {  	s7 =	rddreg [dreg:$0x2]  }
0x4: {  	s0 =	rddreg [dreg:$0x3]  }
0x5: {  	s2 =	simm.s32 $0x0;
	s3 =	srdreg.scid;
	s1 =	stileid.u32  }
0x6: {  	s14 =	simm.s32 $0x200;
	s15 =	simm.s32 $0x1200;
	s16 =	simm.s32 $0x100  }
0x7: {  	s17 =	simm.s32 $0x2200;
	s18 =	simm.s32 $0x180;
	s19 =	simm.s32 $0x3200  }
0x8: {  	s20 =	simm.s32 $0x1;
	s21 =	simm.s32 $0x8210;
	s22 =	simm.s32 $0x0  }
0x9: {  	[smem:$0x7FF] =	sst s2;
	s8 =	sand.u32 $0x1, s3;
	s4 =	sshll.u32 s1, $0x1  }
0xa: {  	s3 =	sadd.s32 $0x200, s5;
	_ =	strace $0x80000047;
	s9 =	sor.u32 s8, s4  }
0xb: {  	s4 =	sadd.s32 $0x8200, s5;
	s8 =	ssub.s32 $0x2, s8;
	s10 =	sshll.u32 s9, $0xB  }
0xc: {  	s12 =	sshll.u32 s9, $0x1;
	s13 =	sshrl.u32 s8, $0x1;
	s31 =	sshll.u32 s9, $0x6  }
0xd: {  	s11 =	sadd.s32 s10, s5;
	s12 =	sadd.s32 s12, s5;
	s13 =	ssub.s32 s8, s13  }
0xe: {  	s5 =	sadd.s32 s6, s31;
	s6 =	sadd.s32 s7, s10;
	s10 =	simm.s32 $0x2  }
0xf: {  	s7 =	sadd.s32 $0x8400, s11;
	s8 =	sadd.s32 $0x18400, s12;
	s9 =	smax.u32 s13, $0x1  }
0x10: {  	s11 =	simm.s32 $0x4200;
	s12 =	simm.s32 $0x8200;
	s13 =	simm.s32 $0x80  }
.LBB2_1:
0x11: {  	[tilespmem:s2], [sflag:$0x2] =	stream.linear.gather [hbm4b:s5+s2], $0x200, $0x38;
	[tilespmem:$0x8220] =	vst v63  }
0x12: {  	_ =	swait.ge [sflag:s10], $0x200  }
0x13: {  	[sflag:s10] =	ssyncset.done $0x0  }
0x14: {  	[sflag:s10] =	ssyncadd.s32 $0xFFFFFE00  }
0x15: {  	[tilespmem:s11], [sflag:$0x2] =	stream.linear.gather [hbm4b:s6+s2], $0x4000, $0x38;
	[tilespmem:$0x8220] =	vst v63  }
0x16: {  	_ =	swait.ge [sflag:s10], $0x4000  }
0x17: {  	[sflag:s10] =	ssyncset.done $0x0  }
0x18: {  	[sflag:s10] =	ssyncadd.s32 $0xFFFFC000  }
0x19: {  	[tilespmem:s12], [sflag:$0x2] =	stream.linear.gather [hbm4b:s4+s2], $0x10, $0x38;
	[tilespmem:$0x8220] =	vst v63  }
0x1a: {  	_ =	swait.ge [sflag:s10], $0x10  }
0x1b: {  	[sflag:s10] =	ssyncset.done $0x0  }
0x1c: {  	[sflag:s10] =	ssyncadd.s32 $0xFFFFFFF0  }
0x1d: {  	[tilespmem:s14], [sflag:$0x1] =	stream.indirect.gather [hbm4b:s3+s13], $0x20, s2, s13, $0xb8;
	[tilespmem:$0x8220] =	vst v63  }
0x1e: {  	_ = 	snop  }
0x1f: {  	[tilespmem:s15], [sflag:$0x1] =	stream.indirect.gather [hbm4b:s3+s13], $0x20, s13, s13, $0xb8;
	[tilespmem:$0x8220] =	vst v63  }
0x20: {  	_ = 	snop  }
0x21: {  	[tilespmem:s17], [sflag:$0x1] =	stream.indirect.gather [hbm4b:s3+s13], $0x20, s16, s13, $0xb8;
	[tilespmem:$0x8220] =	vst v63  }
0x22: {  	_ = 	snop  }
0x23: {  	[tilespmem:s19], [sflag:$0x1] =	stream.indirect.gather [hbm4b:s3+s13], $0x20, s18, s13, $0xb8;
	[tilespmem:$0x8220] =	vst v63  }
0x24: {  	_ =	swait.ge [sflag:s20], $0x1000  }
0x25: {  	[sflag:s20] =	ssyncset.done $0x0  }
0x26: {  	[sflag:s20] =	ssyncadd.s32 $0xFFFFF000  }
0x27: {  	_ =	swait.ge [sflag:s20], $0x1000  }
0x28: {  	[sflag:s20] =	ssyncset.done $0x0  }
0x29: {  	[sflag:s20] =	ssyncadd.s32 $0xFFFFF000  }
0x2a: {  	_ =	swait.ge [sflag:s20], $0x1000  }
0x2b: {  	[sflag:s20] =	ssyncset.done $0x0  }
0x2c: {  	[sflag:s20] =	ssyncadd.s32 $0xFFFFF000  }
0x2d: {  	_ =	swait.ge [sflag:s20], $0x1000  }
0x2e: {  	[sflag:s20] =	ssyncset.done $0x0  }
0x2f: {  	[sflag:s20] =	ssyncadd.s32 $0xFFFFF000  }
0x30: {  	s23 =	simm.s32 $0x0;
	v0 =	vld [tilespmem:$0x8200]  }
0x31: {  	v1 =	vld [tilespmem:s23+$0x200]  }
0x32: {  	v2 =	vld [tilespmem:s23+$0x210]  }
0x33: {  	v3 =	vld [tilespmem:s23+$0x4200]  }
0x34: {  	v5 =	vld [tilespmem:s23+$0x4210];
	_ =	sdelay $0x1  }
0x35: {  	v1 =	vmul.f32 v1, v0  }
0x36: {  	v2 =	vmul.f32 v2, v0  }
0x37: {  	v6 =	vsub.f32 v1, v3  }
0x38: {  	v7 =	vsub.f32 v2, v5  }
0x39: {  	v1 =	vimm.f32 $0.0e+00;
	v4 =	vadd.f32 v6, v3  }
0x3a: {  	s24 =	simm.s32 $0x80;
	s25 =	simm.s32 $0x100;
	v2 =	vmul.f32 v6, v6;
	v5 =	vadd.f32 v7, v5;
	v3 =	vmul.f32 v7, v7  }
.LBB2_2:
0x3b: {  	p0 =	sne.s32 s25, $0xFF80;
	s26 =	sshra.s32 s24, $0x2;
	[tilespmem:s23+$0x200] =	vst v4;
	s24 =	smov.u32 s25  }
0x3c: {  	v4 =	vld [tilespmem:s26+$0x200];
	[tilespmem:s23+$0x210] =	vst v5;
	v2 =	vadd.f32 v3, v2;
	s23 =	smov.u32 s26  }
0x3d: {  	v3 =	vld [tilespmem:s23+$0x210]  }
0x3e: {  	v5 =	vld [tilespmem:s23+$0x4200];
	v1 =	vadd.f32 v2, v1  }
0x3f: {  	v6 =	vld [tilespmem:s23+$0x4210];
	_ =	sdelay $0x1  }
0x40: {  	v2 =	vmul.f32 v4, v0  }
.Ltmp0:
0x41: {  	v3 =	vmul.f32 v3, v0;
	(pc) =	sbr.rel @p0 .LBB2_2-.Ltmp0, $4  }
0x42: {  	v2 =	vsub.f32 v2, v5  }
0x43: {  	v3 =	vsub.f32 v3, v6  }
0x44: {  	v4 =	vadd.f32 v2, v5;
	v2 =	vmul.f32 v2, v2  }
0x45: {  	s25 =	sadd.s32 $0x80, s25;
	v5 =	vadd.f32 v3, v6;
	v3 =	vmul.f32 v3, v3  }
0x46: {  	s24 =	sshra.s32 s24, $0x2;
	[tilespmem:s23+$0x200] =	vst v4  }
0x47: {  	v4 =	vld [tilespmem:s24+$0x200];
	[tilespmem:s23+$0x210] =	vst v5  }
0x48: {  	v5 =	vld [tilespmem:s24+$0x210]  }
0x49: {  	v6 =	vld [tilespmem:s24+$0x4200]  }
0x4a: {  	v7 =	vld [tilespmem:s24+$0x4210];
	_ =	sdelay $0x2  }
0x4b: {  	v4 =	vmul.f32 v4, v0;
	v60 =	vmul.f32 v5, v0;
	_ =	sdelay $0x1  }
0x4c: {  	v4 =	vsub.f32 v4, v6;
	v0 =	vsub.f32 v60, v7  }
0x4d: {  	v2 =	vadd.f32 v3, v2  }
0x4e: {  	v61 =	vmul.f32 v4, v4;
	v62 =	vmul.f32 v0, v0  }
0x4f: {  	v1 =	vadd.f32 v2, v1  }
0x50: {  	v63 =	vadd.f32 v4, v6;
	v3 =	vadd.f32 v62, v61  }
0x51: {  	v0 =	vadd.f32 v0, v7  }
0x52: {  	[tilespmem:s24+$0x200] =	vst v63;
	v1 =	vadd.f32 v3, v1  }
0x53: {  	[tilespmem:s24+$0x210] =	vst v0  }
0x54: {  	[tilespmem:$0x8210] =	vst v1  }
0x55: {  	[hbm4b:s7+s2] =	stream.linear.scatter [tilespmem:s14], [sflag:$0x2], $0x4000, $0x38;
	[tilespmem:$0x8220] =	vst v63  }
0x56: {  	s22 =	sadd.s32 $0x1, s22;
	_ =	swait.ge [sflag:s10], $0x4000  }
0x57: {  	p0 =	sne.s32 s22, s9;
	[sflag:s10] =	ssyncset.done $0x0  }
.Ltmp1:
0x58: {  	[sflag:s10] =	ssyncadd.s32 $0xFFFFC000;
	(pc) =	sbr.rel @p0 .LBB2_1-.Ltmp1, $4  }
0x59: {  	[hbm4b:s8+s2] =	stream.linear.scatter [tilespmem:s21], [sflag:$0x2], $0x10, $0x38;
	[tilespmem:$0x8220] =	vst v63  }
0x5a: {  	_ =	swait.ge [sflag:s10], $0x10  }
0x5b: {  	[sflag:s10] =	ssyncset.done $0x0  }
0x5c: {  	[sflag:s10] =	ssyncadd.s32 $0xFFFFFFF0  }
0x5d: {  	_ =	sfence.sel $0x180000  }
0x5e: {  	[bflag:$0x0] =	sbarrier.arrive $0xFFFF  }
0x5f: {  	p0 =	sne.s32 s1, $0x0;
	_ =	strace $0x90000047  }
0x60: {  	s0 =	sadd.s32 @!p0 $0x100000, s0;
	[bflag:$0x2] =	sbarrier.arrive $0xFFFF  }
0x61: {  	[sflag:s0] =	ssyncadd.tile.s32 @!p0 $0x1;
	_ =	shalt  }
.Lfunc_end2:
_tile_overlayer_lowered:
.L_overlay_start_2:
0x62: {  	(tag) =	ssettag $0x2  }
0x63: {  	s0 =	rddreg [dreg:$0x0];
	s2 =	stileid.u32  }
0x64: {  	s1 =	rddreg [dreg:$0x1];
	p0 =	sne.s32 s2, $0x0  }
0x65: {  	s3 =	rddreg [dreg:$0x2];
	[bflag:$0x3] =	sbarrier.arrive $0xFFFF;
	s2 =	simm.s32 @!p0 $0x1C02  }
0x66: {  	[timem:s3], [sflag:s2] =	dma.local @!p0 [hbm:s0], s1  }
0x67: {  	s0 =	simm.s32 @!p0 $0x2  }
0x68: {  	_ =	swait.ge @!p0 [sflag:s0], s1  }
0x69: {  	s1 =	ssub.s32 @!p0 $0x0, s1;
	[sflag:s0] =	ssyncset.done @!p0 $0x0  }
0x6a: {  	[sflag:s0] =	ssyncadd.s32 @!p0 s1  }
0x6b: {  	[bflag:$0x3] =	sbarrier.arrive $0xFFFF  }
0x6c: {  	_ =	shalt  }

</sc_bundles>
